<compile_context>
chip_gen: v7x
topology: tpu7x:2x2x1
jax: 0.10.2.dev20260603
libtpu: 0.0.44.dev20260713+nightly
codegen_flags: <defaults>
</compile_context>

<pallas_src>
import functools

import jax
import jax.numpy as jnp
from jax import lax
from jax.experimental import pallas as pl
from jax.experimental.pallas import tpu as pltpu
from jax.experimental.pallas import tpu_sc as plsc

VOCAB = 100000
DIM = 128
SEQ = 2048
BATCH = 4

N = BATCH * SEQ
NC = 2
NS = 16
NW = NC * NS
RPW = N // NW
CH = 128
NCH = RPW // CH
LANES = 16


_mesh = plsc.VectorSubcoreMesh(core_axis_name="c", subcore_axis_name="s")


@functools.partial(
    pl.kernel,
    mesh=_mesh,
    out_type=jax.ShapeDtypeStruct((N, DIM), jnp.float32),
    scratch_types=[
        pltpu.VMEM((NCH, CH), jnp.int32),
        pltpu.VMEM((NCH, CH), jnp.int32),
        pltpu.VMEM((RPW, DIM), jnp.float32),
        pltpu.VMEM((RPW, DIM), jnp.float32),
        pltpu.SemaphoreType.DMA,
    ],
)
def _emb_kernel(ids_hbm, pids_hbm, vocab_hbm, pos_hbm, out_hbm,
                idx_v, pidx_v, rows_v, prows_v, sem):
    wid = lax.axis_index("s") * NC + lax.axis_index("c")
    base = wid * RPW

    pltpu.sync_copy(ids_hbm.at[pl.ds(wid * NCH, NCH)], idx_v)
    pltpu.sync_copy(pids_hbm.at[pl.ds(wid * NCH, NCH)], pidx_v)

    copies = []
    for j in range(NCH):
        copies.append(pltpu.async_copy(
            vocab_hbm.at[idx_v.at[j]], rows_v.at[pl.ds(j * CH, CH)], sem))
        copies.append(pltpu.async_copy(
            pos_hbm.at[pidx_v.at[j]], prows_v.at[pl.ds(j * CH, CH)], sem))
    for cp in copies:
        cp.wait()

    def body(r, carry):
        for c in range(DIM // LANES):
            s = pl.ds(c * LANES, LANES)
            rows_v[r, s] = rows_v[r, s] + prows_v[r, s]
        return carry

    lax.fori_loop(0, RPW, body, 0)

    pltpu.sync_copy(rows_v, out_hbm.at[pl.ds(base, RPW)])


def kernel(input_ids, position_ids, vocab_table, pos_table):
    ids = input_ids.reshape(NW * NCH, CH).astype(jnp.int32)
    pids = position_ids.reshape(NW * NCH, CH).astype(jnp.int32)
    out = _emb_kernel(ids, pids, vocab_table, pos_table)
    return out.reshape(BATCH, SEQ, DIM)

# --- scband reference (transcript-rebuilt; emitter-appended) ---
"""Pipeline reference for scband-gptembedding-6124623364453 (READ-ONLY COPY).

The authoritative reference and input builder live on the scoring server;
editing this copy changes nothing except your own understanding.
"""

import jax, jax.numpy as jnp
import numpy as np

VOCAB = 100000
DIM = 128
SEQ = 2048
BATCH = 4

def setup_inputs(seed: int = 0) -> dict:
    key = jax.random.key(seed)
    k1, k2, k3, k4 = jax.random.split(key, 4)
    input_ids = jax.random.randint(k1, (BATCH, SEQ), 0, VOCAB, dtype=jnp.int64 if jax.config.jax_enable_x64 else jnp.int32)
    position_ids = jax.random.randint(k2, (BATCH, SEQ), 0, SEQ, dtype=jnp.int64 if jax.config.jax_enable_x64 else jnp.int32)
    # xavier_normal for embedding weight [vocab, dim]: std = sqrt(2/(fan_in+fan_out))
    std_v = float(np.sqrt(2.0 / (VOCAB + DIM)))
    vocab_table = jax.random.normal(k3, (VOCAB, DIM), dtype=jnp.float32) * std_v
    # nn.Embedding default init: N(0, 1)
    pos_table = jax.random.normal(k4, (SEQ, DIM), dtype=jnp.float32)
    return {"input_ids": input_ids, "position_ids": position_ids, "vocab_table": vocab_table, "pos_table": pos_table}

def reference(input_ids, position_ids, vocab_table, pos_table):
    word_embeddings = jnp.take(vocab_table, input_ids, axis=0)
    pos_embeddings = jnp.take(pos_table, position_ids, axis=0)
    embeddings = word_embeddings + pos_embeddings
    return embeddings

if __name__ == "__main__":
    import jax
    _d = setup_inputs()
    print(jax.jit(kernel)(*tuple(_d.values())))

</pallas_src>

<mosaic_0001>
#map = affine_map<(d0, d1) -> (0, 0)>
module attributes {stable_mosaic.version = 14 : i64} {
  func.func @_emb_kernel(%arg0: i32, %arg1: i32, %arg2: memref<64x128xi32, #tpu.memory_space<hbm>>, %arg3: memref<64x128xi32, #tpu.memory_space<hbm>>, %arg4: memref<100000x128xf32, #tpu.memory_space<hbm>>, %arg5: memref<2048x128xf32, #tpu.memory_space<hbm>>, %arg6: memref<8192x128xf32, #tpu.memory_space<hbm>>, %arg7: memref<2x128xi32, #tpu.memory_space<vmem>>, %arg8: memref<2x128xi32, #tpu.memory_space<vmem>>, %arg9: memref<256x128xf32, #tpu.memory_space<vmem>>, %arg10: memref<256x128xf32, #tpu.memory_space<vmem>>, %arg11: memref<!tpu.dma_semaphore, #tpu.memory_space<semaphore_mem>>) attributes {dimension_semantics = [#tpu.dimension_semantics<core_parallel>, #tpu.dimension_semantics<subcore_parallel>], iteration_bounds = array<i64: 2, 16>, scalar_prefetch = 0 : i64, scratch_operands = 5 : i64, tpu.core_type = #tpu.core_type<sc_vector_subcore>, window_params = [{transform_indices = #map}, {transform_indices = #map}, {transform_indices = #map}, {transform_indices = #map}, {transform_indices = #map}]} {
    %mul3A = arith.constant 2 : i32
    %mul3A_0 = arith.muli %arg1, %mul3A : i32
    %add3A = arith.addi %mul3A_0, %arg0 : i32
    %mul3A_1 = arith.constant 256 : i32
    %mul3A_2 = arith.muli %add3A, %mul3A_1 : i32
    %mul3A_3 = arith.constant 2 : i32
    %mul3A_4 = arith.muli %add3A, %mul3A_3 : i32
    "tpu.region"() ({
      %run_scoped3A = tpu.sem_alloc : memref<!tpu.dma_semaphore, #tpu.memory_space<semaphore_mem>>
      %dma_start3A_90 = arith.constant 0 : i32
      %dma_start3A_91 = tpu.memref_slice %arg2[%mul3A_4, %dma_start3A_90] : memref<64x128xi32, #tpu.memory_space<hbm>> -> memref<2x128xi32, #tpu.memory_space<hbm>>
      %dma_start3A_92 = arith.constant 0 : i32
      %dma_start3A_93 = tpu.memref_slice %arg2[%mul3A_4, %dma_start3A_92] : memref<64x128xi32, #tpu.memory_space<hbm>> -> memref<2x128xi32, #tpu.memory_space<hbm>>
      tpu.enqueue_dma source(%dma_start3A_93 : memref<2x128xi32, #tpu.memory_space<hbm>>) target(%arg7 : memref<2x128xi32, #tpu.memory_space<vmem>>) target_semaphore(%run_scoped3A : memref<!tpu.dma_semaphore, #tpu.memory_space<semaphore_mem>>)
      %dma_wait3A_94 = arith.constant 0 : i32
      %dma_wait3A_95 = tpu.memref_slice %arg2[%mul3A_4, %dma_wait3A_94] : memref<64x128xi32, #tpu.memory_space<hbm>> -> memref<2x128xi32, #tpu.memory_space<hbm>>
      %dma_wait3A_96 = arith.constant 0 : i32
      %dma_wait3A_97 = tpu.memref_slice %arg2[%mul3A_4, %dma_wait3A_96] : memref<64x128xi32, #tpu.memory_space<hbm>> -> memref<2x128xi32, #tpu.memory_space<hbm>>
      tpu.wait_dma2 semaphore(%run_scoped3A : memref<!tpu.dma_semaphore, #tpu.memory_space<semaphore_mem>>) src(%dma_wait3A_97 : memref<2x128xi32, #tpu.memory_space<hbm>>) dst(%arg7 : memref<2x128xi32, #tpu.memory_space<vmem>>)
      tpu.yield
    }) : () -> ()
    %mul3A_5 = arith.constant 2 : i32
    %mul3A_6 = arith.muli %add3A, %mul3A_5 : i32
    "tpu.region"() ({
      %run_scoped3A = tpu.sem_alloc : memref<!tpu.dma_semaphore, #tpu.memory_space<semaphore_mem>>
      %dma_start3A_90 = arith.constant 0 : i32
      %dma_start3A_91 = tpu.memref_slice %arg3[%mul3A_6, %dma_start3A_90] : memref<64x128xi32, #tpu.memory_space<hbm>> -> memref<2x128xi32, #tpu.memory_space<hbm>>
      %dma_start3A_92 = arith.constant 0 : i32
      %dma_start3A_93 = tpu.memref_slice %arg3[%mul3A_6, %dma_start3A_92] : memref<64x128xi32, #tpu.memory_space<hbm>> -> memref<2x128xi32, #tpu.memory_space<hbm>>
      tpu.enqueue_dma source(%dma_start3A_93 : memref<2x128xi32, #tpu.memory_space<hbm>>) target(%arg8 : memref<2x128xi32, #tpu.memory_space<vmem>>) target_semaphore(%run_scoped3A : memref<!tpu.dma_semaphore, #tpu.memory_space<semaphore_mem>>)
      %dma_wait3A_94 = arith.constant 0 : i32
      %dma_wait3A_95 = tpu.memref_slice %arg3[%mul3A_6, %dma_wait3A_94] : memref<64x128xi32, #tpu.memory_space<hbm>> -> memref<2x128xi32, #tpu.memory_space<hbm>>
      %dma_wait3A_96 = arith.constant 0 : i32
      %dma_wait3A_97 = tpu.memref_slice %arg3[%mul3A_6, %dma_wait3A_96] : memref<64x128xi32, #tpu.memory_space<hbm>> -> memref<2x128xi32, #tpu.memory_space<hbm>>
      tpu.wait_dma2 semaphore(%run_scoped3A : memref<!tpu.dma_semaphore, #tpu.memory_space<semaphore_mem>>) src(%dma_wait3A_97 : memref<2x128xi32, #tpu.memory_space<hbm>>) dst(%arg8 : memref<2x128xi32, #tpu.memory_space<vmem>>)
      tpu.yield
    }) : () -> ()
    %dma_start3A = arith.constant 0 : i32
    %dma_start3A_7 = arith.constant 0 : i32
    %dma_start3A_8 = arith.constant 0 : i32
    %dma_start3A_9 = tpu.memref_slice %arg9[%dma_start3A_7, %dma_start3A_8] : memref<256x128xf32, #tpu.memory_space<vmem>> -> memref<128x128xf32, #tpu.memory_space<vmem>>
    %dma_start3A_10 = arith.constant 0 : i32
    %dma_start3A_11 = tpu.memref_slice %arg7[%dma_start3A, %dma_start3A_10] : memref<2x128xi32, #tpu.memory_space<vmem>> -> memref<1x128xi32, #tpu.memory_space<vmem>>
    %dma_start3A_12 = tpu.memref_squeeze %dma_start3A_11 : memref<1x128xi32, #tpu.memory_space<vmem>> -> memref<128xi32, #tpu.memory_space<vmem>>
    %dma_start3A_13 = arith.constant 0 : i32
    %dma_start3A_14 = arith.constant 0 : i32
    %dma_start3A_15 = tpu.memref_slice %arg4[%dma_start3A_13, %dma_start3A_14] : memref<100000x128xf32, #tpu.memory_space<hbm>> -> memref<100000x128xf32, #tpu.memory_space<hbm>>
    tpu.enqueue_indirect_dma source(%dma_start3A_15 : memref<100000x128xf32, #tpu.memory_space<hbm>>) target(%dma_start3A_9 : memref<128x128xf32, #tpu.memory_space<vmem>>) offsets(%dma_start3A_12 : memref<128xi32, #tpu.memory_space<vmem>>) semaphore(%arg11 : memref<!tpu.dma_semaphore, #tpu.memory_space<semaphore_mem>>)
    %dma_start3A_16 = arith.constant 0 : i32
    %dma_start3A_17 = arith.constant 0 : i32
    %dma_start3A_18 = arith.constant 0 : i32
    %dma_start3A_19 = tpu.memref_slice %arg10[%dma_start3A_17, %dma_start3A_18] : memref<256x128xf32, #tpu.memory_space<vmem>> -> memref<128x128xf32, #tpu.memory_space<vmem>>
    %dma_start3A_20 = arith.constant 0 : i32
    %dma_start3A_21 = tpu.memref_slice %arg8[%dma_start3A_16, %dma_start3A_20] : memref<2x128xi32, #tpu.memory_space<vmem>> -> memref<1x128xi32, #tpu.memory_space<vmem>>
    %dma_start3A_22 = tpu.memref_squeeze %dma_start3A_21 : memref<1x128xi32, #tpu.memory_space<vmem>> -> memref<128xi32, #tpu.memory_space<vmem>>
    %dma_start3A_23 = arith.constant 0 : i32
    %dma_start3A_24 = arith.constant 0 : i32
    %dma_start3A_25 = tpu.memref_slice %arg5[%dma_start3A_23, %dma_start3A_24] : memref<2048x128xf32, #tpu.memory_space<hbm>> -> memref<2048x128xf32, #tpu.memory_space<hbm>>
    tpu.enqueue_indirect_dma source(%dma_start3A_25 : memref<2048x128xf32, #tpu.memory_space<hbm>>) target(%dma_start3A_19 : memref<128x128xf32, #tpu.memory_space<vmem>>) offsets(%dma_start3A_22 : memref<128xi32, #tpu.memory_space<vmem>>) semaphore(%arg11 : memref<!tpu.dma_semaphore, #tpu.memory_space<semaphore_mem>>)
    %dma_start3A_26 = arith.constant 1 : i32
    %dma_start3A_27 = arith.constant 128 : i32
    %dma_start3A_28 = arith.constant 0 : i32
    %dma_start3A_29 = tpu.memref_slice %arg9[%dma_start3A_27, %dma_start3A_28] : memref<256x128xf32, #tpu.memory_space<vmem>> -> memref<128x128xf32, #tpu.memory_space<vmem>>
    %dma_start3A_30 = arith.constant 0 : i32
    %dma_start3A_31 = tpu.memref_slice %arg7[%dma_start3A_26, %dma_start3A_30] : memref<2x128xi32, #tpu.memory_space<vmem>> -> memref<1x128xi32, #tpu.memory_space<vmem>>
    %dma_start3A_32 = tpu.memref_squeeze %dma_start3A_31 : memref<1x128xi32, #tpu.memory_space<vmem>> -> memref<128xi32, #tpu.memory_space<vmem>>
    %dma_start3A_33 = arith.constant 0 : i32
    %dma_start3A_34 = arith.constant 0 : i32
    %dma_start3A_35 = tpu.memref_slice %arg4[%dma_start3A_33, %dma_start3A_34] : memref<100000x128xf32, #tpu.memory_space<hbm>> -> memref<100000x128xf32, #tpu.memory_space<hbm>>
    tpu.enqueue_indirect_dma source(%dma_start3A_35 : memref<100000x128xf32, #tpu.memory_space<hbm>>) target(%dma_start3A_29 : memref<128x128xf32, #tpu.memory_space<vmem>>) offsets(%dma_start3A_32 : memref<128xi32, #tpu.memory_space<vmem>>) semaphore(%arg11 : memref<!tpu.dma_semaphore, #tpu.memory_space<semaphore_mem>>)
    %dma_start3A_36 = arith.constant 1 : i32
    %dma_start3A_37 = arith.constant 128 : i32
    %dma_start3A_38 = arith.constant 0 : i32
    %dma_start3A_39 = tpu.memref_slice %arg10[%dma_start3A_37, %dma_start3A_38] : memref<256x128xf32, #tpu.memory_space<vmem>> -> memref<128x128xf32, #tpu.memory_space<vmem>>
    %dma_start3A_40 = arith.constant 0 : i32
    %dma_start3A_41 = tpu.memref_slice %arg8[%dma_start3A_36, %dma_start3A_40] : memref<2x128xi32, #tpu.memory_space<vmem>> -> memref<1x128xi32, #tpu.memory_space<vmem>>
    %dma_start3A_42 = tpu.memref_squeeze %dma_start3A_41 : memref<1x128xi32, #tpu.memory_space<vmem>> -> memref<128xi32, #tpu.memory_space<vmem>>
    %dma_start3A_43 = arith.constant 0 : i32
    %dma_start3A_44 = arith.constant 0 : i32
    %dma_start3A_45 = tpu.memref_slice %arg5[%dma_start3A_43, %dma_start3A_44] : memref<2048x128xf32, #tpu.memory_space<hbm>> -> memref<2048x128xf32, #tpu.memory_space<hbm>>
    tpu.enqueue_indirect_dma source(%dma_start3A_45 : memref<2048x128xf32, #tpu.memory_space<hbm>>) target(%dma_start3A_39 : memref<128x128xf32, #tpu.memory_space<vmem>>) offsets(%dma_start3A_42 : memref<128xi32, #tpu.memory_space<vmem>>) semaphore(%arg11 : memref<!tpu.dma_semaphore, #tpu.memory_space<semaphore_mem>>)
    %dma_wait3A = arith.constant 0 : i32
    %dma_wait3A_46 = arith.constant 0 : i32
    %dma_wait3A_47 = arith.constant 0 : i32
    %dma_wait3A_48 = tpu.memref_slice %arg9[%dma_wait3A_46, %dma_wait3A_47] : memref<256x128xf32, #tpu.memory_space<vmem>> -> memref<128x128xf32, #tpu.memory_space<vmem>>
    %dma_wait3A_49 = arith.constant 0 : i32
    %dma_wait3A_50 = tpu.memref_slice %arg7[%dma_wait3A, %dma_wait3A_49] : memref<2x128xi32, #tpu.memory_space<vmem>> -> memref<1x128xi32, #tpu.memory_space<vmem>>
    %dma_wait3A_51 = tpu.memref_squeeze %dma_wait3A_50 : memref<1x128xi32, #tpu.memory_space<vmem>> -> memref<128xi32, #tpu.memory_space<vmem>>
    %dma_wait3A_52 = arith.constant 0 : i32
    %dma_wait3A_53 = arith.constant 0 : i32
    %dma_wait3A_54 = tpu.memref_slice %arg4[%dma_wait3A_52, %dma_wait3A_53] : memref<100000x128xf32, #tpu.memory_space<hbm>> -> memref<100000x128xf32, #tpu.memory_space<hbm>>
    tpu.wait_indirect_dma semaphore(%arg11 : memref<!tpu.dma_semaphore, #tpu.memory_space<semaphore_mem>>) src(%dma_wait3A_54 : memref<100000x128xf32, #tpu.memory_space<hbm>>) dst(%dma_wait3A_48 : memref<128x128xf32, #tpu.memory_space<vmem>>)
    %dma_wait3A_55 = arith.constant 0 : i32
    %dma_wait3A_56 = arith.constant 0 : i32
    %dma_wait3A_57 = arith.constant 0 : i32
    %dma_wait3A_58 = tpu.memref_slice %arg10[%dma_wait3A_56, %dma_wait3A_57] : memref<256x128xf32, #tpu.memory_space<vmem>> -> memref<128x128xf32, #tpu.memory_space<vmem>>
    %dma_wait3A_59 = arith.constant 0 : i32
    %dma_wait3A_60 = tpu.memref_slice %arg8[%dma_wait3A_55, %dma_wait3A_59] : memref<2x128xi32, #tpu.memory_space<vmem>> -> memref<1x128xi32, #tpu.memory_space<vmem>>
    %dma_wait3A_61 = tpu.memref_squeeze %dma_wait3A_60 : memref<1x128xi32, #tpu.memory_space<vmem>> -> memref<128xi32, #tpu.memory_space<vmem>>
    %dma_wait3A_62 = arith.constant 0 : i32
    %dma_wait3A_63 = arith.constant 0 : i32
    %dma_wait3A_64 = tpu.memref_slice %arg5[%dma_wait3A_62, %dma_wait3A_63] : memref<2048x128xf32, #tpu.memory_space<hbm>> -> memref<2048x128xf32, #tpu.memory_space<hbm>>
    tpu.wait_indirect_dma semaphore(%arg11 : memref<!tpu.dma_semaphore, #tpu.memory_space<semaphore_mem>>) src(%dma_wait3A_64 : memref<2048x128xf32, #tpu.memory_space<hbm>>) dst(%dma_wait3A_58 : memref<128x128xf32, #tpu.memory_space<vmem>>)
    %dma_wait3A_65 = arith.constant 1 : i32
    %dma_wait3A_66 = arith.constant 128 : i32
    %dma_wait3A_67 = arith.constant 0 : i32
    %dma_wait3A_68 = tpu.memref_slice %arg9[%dma_wait3A_66, %dma_wait3A_67] : memref<256x128xf32, #tpu.memory_space<vmem>> -> memref<128x128xf32, #tpu.memory_space<vmem>>
    %dma_wait3A_69 = arith.constant 0 : i32
    %dma_wait3A_70 = tpu.memref_slice %arg7[%dma_wait3A_65, %dma_wait3A_69] : memref<2x128xi32, #tpu.memory_space<vmem>> -> memref<1x128xi32, #tpu.memory_space<vmem>>
    %dma_wait3A_71 = tpu.memref_squeeze %dma_wait3A_70 : memref<1x128xi32, #tpu.memory_space<vmem>> -> memref<128xi32, #tpu.memory_space<vmem>>
    %dma_wait3A_72 = arith.constant 0 : i32
    %dma_wait3A_73 = arith.constant 0 : i32
    %dma_wait3A_74 = tpu.memref_slice %arg4[%dma_wait3A_72, %dma_wait3A_73] : memref<100000x128xf32, #tpu.memory_space<hbm>> -> memref<100000x128xf32, #tpu.memory_space<hbm>>
    tpu.wait_indirect_dma semaphore(%arg11 : memref<!tpu.dma_semaphore, #tpu.memory_space<semaphore_mem>>) src(%dma_wait3A_74 : memref<100000x128xf32, #tpu.memory_space<hbm>>) dst(%dma_wait3A_68 : memref<128x128xf32, #tpu.memory_space<vmem>>)
    %dma_wait3A_75 = arith.constant 1 : i32
    %dma_wait3A_76 = arith.constant 128 : i32
    %dma_wait3A_77 = arith.constant 0 : i32
    %dma_wait3A_78 = tpu.memref_slice %arg10[%dma_wait3A_76, %dma_wait3A_77] : memref<256x128xf32, #tpu.memory_space<vmem>> -> memref<128x128xf32, #tpu.memory_space<vmem>>
    %dma_wait3A_79 = arith.constant 0 : i32
    %dma_wait3A_80 = tpu.memref_slice %arg8[%dma_wait3A_75, %dma_wait3A_79] : memref<2x128xi32, #tpu.memory_space<vmem>> -> memref<1x128xi32, #tpu.memory_space<vmem>>
    %dma_wait3A_81 = tpu.memref_squeeze %dma_wait3A_80 : memref<1x128xi32, #tpu.memory_space<vmem>> -> memref<128xi32, #tpu.memory_space<vmem>>
    %dma_wait3A_82 = arith.constant 0 : i32
    %dma_wait3A_83 = arith.constant 0 : i32
    %dma_wait3A_84 = tpu.memref_slice %arg5[%dma_wait3A_82, %dma_wait3A_83] : memref<2048x128xf32, #tpu.memory_space<hbm>> -> memref<2048x128xf32, #tpu.memory_space<hbm>>
    tpu.wait_indirect_dma semaphore(%arg11 : memref<!tpu.dma_semaphore, #tpu.memory_space<semaphore_mem>>) src(%dma_wait3A_84 : memref<2048x128xf32, #tpu.memory_space<hbm>>) dst(%dma_wait3A_78 : memref<128x128xf32, #tpu.memory_space<vmem>>)
    %scan3A = arith.constant 0 : i32
    %scan3A_85 = arith.constant 0 : i32
    %scan3A_86 = arith.constant 256 : i32
    %scan3A_87 = arith.addi %scan3A_85, %scan3A_86 : i32
    %scan3A_88 = arith.constant 1 : i32
    scf.for %scan3A_90 = %scan3A_85 to %scan3A_87 step %scan3A_88  : i32 {
      %get3A = arith.index_cast %scan3A_90 : i32 to index
      %get3A_91 = arith.constant 0 : index
      %get3A_92 = tpu.vector_load %arg9[%get3A, %get3A_91] {strides = array<i32>} : memref<256x128xf32, #tpu.memory_space<vmem>>, vector<1x16xf32>,
      %get3A_93 = vector.shape_cast %get3A_92 : vector<1x16xf32> to vector<16xf32>
      %get3A_94 = arith.index_cast %scan3A_90 : i32 to index
      %get3A_95 = arith.constant 0 : index
      %get3A_96 = tpu.vector_load %arg10[%get3A_94, %get3A_95] {strides = array<i32>} : memref<256x128xf32, #tpu.memory_space<vmem>>, vector<1x16xf32>,
      %get3A_97 = vector.shape_cast %get3A_96 : vector<1x16xf32> to vector<16xf32>
      %add3A_98 = arith.addf %get3A_93, %get3A_97 : vector<16xf32>
      %swap3A = arith.index_cast %scan3A_90 : i32 to index
      %swap3A_99 = arith.constant 0 : index
      %swap3A_100 = tpu.vector_load %arg9[%swap3A, %swap3A_99] {strides = array<i32>} : memref<256x128xf32, #tpu.memory_space<vmem>>, vector<1x16xf32>,
      %swap3A_101 = vector.shape_cast %swap3A_100 : vector<1x16xf32> to vector<16xf32>
      %swap3A_102 = vector.shape_cast %add3A_98 : vector<16xf32> to vector<1x16xf32>
      tpu.vector_store %arg9[%swap3A, %swap3A_99], %swap3A_102 {strides = array<i32>} : memref<256x128xf32, #tpu.memory_space<vmem>>, vector<1x16xf32>,
      %get3A_103 = arith.index_cast %scan3A_90 : i32 to index
      %get3A_104 = arith.constant 16 : index
      %get3A_105 = tpu.vector_load %arg9[%get3A_103, %get3A_104] {strides = array<i32>} : memref<256x128xf32, #tpu.memory_space<vmem>>, vector<1x16xf32>,
      %get3A_106 = vector.shape_cast %get3A_105 : vector<1x16xf32> to vector<16xf32>
      %get3A_107 = arith.index_cast %scan3A_90 : i32 to index
      %get3A_108 = arith.constant 16 : index
      %get3A_109 = tpu.vector_load %arg10[%get3A_107, %get3A_108] {strides = array<i32>} : memref<256x128xf32, #tpu.memory_space<vmem>>, vector<1x16xf32>,
      %get3A_110 = vector.shape_cast %get3A_109 : vector<1x16xf32> to vector<16xf32>
      %add3A_111 = arith.addf %get3A_106, %get3A_110 : vector<16xf32>
      %swap3A_112 = arith.index_cast %scan3A_90 : i32 to index
      %swap3A_113 = arith.constant 16 : index
      %swap3A_114 = tpu.vector_load %arg9[%swap3A_112, %swap3A_113] {strides = array<i32>} : memref<256x128xf32, #tpu.memory_space<vmem>>, vector<1x16xf32>,
      %swap3A_115 = vector.shape_cast %swap3A_114 : vector<1x16xf32> to vector<16xf32>
      %swap3A_116 = vector.shape_cast %add3A_111 : vector<16xf32> to vector<1x16xf32>
      tpu.vector_store %arg9[%swap3A_112, %swap3A_113], %swap3A_116 {strides = array<i32>} : memref<256x128xf32, #tpu.memory_space<vmem>>, vector<1x16xf32>,
      %get3A_117 = arith.index_cast %scan3A_90 : i32 to index
      %get3A_118 = arith.constant 32 : index
      %get3A_119 = tpu.vector_load %arg9[%get3A_117, %get3A_118] {strides = array<i32>} : memref<256x128xf32, #tpu.memory_space<vmem>>, vector<1x16xf32>,
      %get3A_120 = vector.shape_cast %get3A_119 : vector<1x16xf32> to vector<16xf32>
      %get3A_121 = arith.index_cast %scan3A_90 : i32 to index
      %get3A_122 = arith.constant 32 : index
      %get3A_123 = tpu.vector_load %arg10[%get3A_121, %get3A_122] {strides = array<i32>} : memref<256x128xf32, #tpu.memory_space<vmem>>, vector<1x16xf32>,
      %get3A_124 = vector.shape_cast %get3A_123 : vector<1x16xf32> to vector<16xf32>
      %add3A_125 = arith.addf %get3A_120, %get3A_124 : vector<16xf32>
      %swap3A_126 = arith.index_cast %scan3A_90 : i32 to index
      %swap3A_127 = arith.constant 32 : index
      %swap3A_128 = tpu.vector_load %arg9[%swap3A_126, %swap3A_127] {strides = array<i32>} : memref<256x128xf32, #tpu.memory_space<vmem>>, vector<1x16xf32>,
      %swap3A_129 = vector.shape_cast %swap3A_128 : vector<1x16xf32> to vector<16xf32>
      %swap3A_130 = vector.shape_cast %add3A_125 : vector<16xf32> to vector<1x16xf32>
      tpu.vector_store %arg9[%swap3A_126, %swap3A_127], %swap3A_130 {strides = array<i32>} : memref<256x128xf32, #tpu.memory_space<vmem>>, vector<1x16xf32>,
      %get3A_131 = arith.index_cast %scan3A_90 : i32 to index
      %get3A_132 = arith.constant 48 : index
      %get3A_133 = tpu.vector_load %arg9[%get3A_131, %get3A_132] {strides = array<i32>} : memref<256x128xf32, #tpu.memory_space<vmem>>, vector<1x16xf32>,
      %get3A_134 = vector.shape_cast %get3A_133 : vector<1x16xf32> to vector<16xf32>
      %get3A_135 = arith.index_cast %scan3A_90 : i32 to index
      %get3A_136 = arith.constant 48 : index
      %get3A_137 = tpu.vector_load %arg10[%get3A_135, %get3A_136] {strides = array<i32>} : memref<256x128xf32, #tpu.memory_space<vmem>>, vector<1x16xf32>,
      %get3A_138 = vector.shape_cast %get3A_137 : vector<1x16xf32> to vector<16xf32>
      %add3A_139 = arith.addf %get3A_134, %get3A_138 : vector<16xf32>
      %swap3A_140 = arith.index_cast %scan3A_90 : i32 to index
      %swap3A_141 = arith.constant 48 : index
      %swap3A_142 = tpu.vector_load %arg9[%swap3A_140, %swap3A_141] {strides = array<i32>} : memref<256x128xf32, #tpu.memory_space<vmem>>, vector<1x16xf32>,
      %swap3A_143 = vector.shape_cast %swap3A_142 : vector<1x16xf32> to vector<16xf32>
      %swap3A_144 = vector.shape_cast %add3A_139 : vector<16xf32> to vector<1x16xf32>
      tpu.vector_store %arg9[%swap3A_140, %swap3A_141], %swap3A_144 {strides = array<i32>} : memref<256x128xf32, #tpu.memory_space<vmem>>, vector<1x16xf32>,
      %get3A_145 = arith.index_cast %scan3A_90 : i32 to index
      %get3A_146 = arith.constant 64 : index
      %get3A_147 = tpu.vector_load %arg9[%get3A_145, %get3A_146] {strides = array<i32>} : memref<256x128xf32, #tpu.memory_space<vmem>>, vector<1x16xf32>,
      %get3A_148 = vector.shape_cast %get3A_147 : vector<1x16xf32> to vector<16xf32>
      %get3A_149 = arith.index_cast %scan3A_90 : i32 to index
      %get3A_150 = arith.constant 64 : index
      %get3A_151 = tpu.vector_load %arg10[%get3A_149, %get3A_150] {strides = array<i32>} : memref<256x128xf32, #tpu.memory_space<vmem>>, vector<1x16xf32>,
      %get3A_152 = vector.shape_cast %get3A_151 : vector<1x16xf32> to vector<16xf32>
      %add3A_153 = arith.addf %get3A_148, %get3A_152 : vector<16xf32>
      %swap3A_154 = arith.index_cast %scan3A_90 : i32 to index
      %swap3A_155 = arith.constant 64 : index
      %swap3A_156 = tpu.vector_load %arg9[%swap3A_154, %swap3A_155] {strides = array<i32>} : memref<256x128xf32, #tpu.memory_space<vmem>>, vector<1x16xf32>,
      %swap3A_157 = vector.shape_cast %swap3A_156 : vector<1x16xf32> to vector<16xf32>
      %swap3A_158 = vector.shape_cast %add3A_153 : vector<16xf32> to vector<1x16xf32>
      tpu.vector_store %arg9[%swap3A_154, %swap3A_155], %swap3A_158 {strides = array<i32>} : memref<256x128xf32, #tpu.memory_space<vmem>>, vector<1x16xf32>,
      %get3A_159 = arith.index_cast %scan3A_90 : i32 to index
      %get3A_160 = arith.constant 80 : index
      %get3A_161 = tpu.vector_load %arg9[%get3A_159, %get3A_160] {strides = array<i32>} : memref<256x128xf32, #tpu.memory_space<vmem>>, vector<1x16xf32>,
      %get3A_162 = vector.shape_cast %get3A_161 : vector<1x16xf32> to vector<16xf32>
      %get3A_163 = arith.index_cast %scan3A_90 : i32 to index
      %get3A_164 = arith.constant 80 : index
      %get3A_165 = tpu.vector_load %arg10[%get3A_163, %get3A_164] {strides = array<i32>} : memref<256x128xf32, #tpu.memory_space<vmem>>, vector<1x16xf32>,
      %get3A_166 = vector.shape_cast %get3A_165 : vector<1x16xf32> to vector<16xf32>
      %add3A_167 = arith.addf %get3A_162, %get3A_166 : vector<16xf32>
      %swap3A_168 = arith.index_cast %scan3A_90 : i32 to index
      %swap3A_169 = arith.constant 80 : index
      %swap3A_170 = tpu.vector_load %arg9[%swap3A_168, %swap3A_169] {strides = array<i32>} : memref<256x128xf32, #tpu.memory_space<vmem>>, vector<1x16xf32>,
      %swap3A_171 = vector.shape_cast %swap3A_170 : vector<1x16xf32> to vector<16xf32>
      %swap3A_172 = vector.shape_cast %add3A_167 : vector<16xf32> to vector<1x16xf32>
      tpu.vector_store %arg9[%swap3A_168, %swap3A_169], %swap3A_172 {strides = array<i32>} : memref<256x128xf32, #tpu.memory_space<vmem>>, vector<1x16xf32>,
      %get3A_173 = arith.index_cast %scan3A_90 : i32 to index
      %get3A_174 = arith.constant 96 : index
      %get3A_175 = tpu.vector_load %arg9[%get3A_173, %get3A_174] {strides = array<i32>} : memref<256x128xf32, #tpu.memory_space<vmem>>, vector<1x16xf32>,
      %get3A_176 = vector.shape_cast %get3A_175 : vector<1x16xf32> to vector<16xf32>
      %get3A_177 = arith.index_cast %scan3A_90 : i32 to index
      %get3A_178 = arith.constant 96 : index
      %get3A_179 = tpu.vector_load %arg10[%get3A_177, %get3A_178] {strides = array<i32>} : memref<256x128xf32, #tpu.memory_space<vmem>>, vector<1x16xf32>,
      %get3A_180 = vector.shape_cast %get3A_179 : vector<1x16xf32> to vector<16xf32>
      %add3A_181 = arith.addf %get3A_176, %get3A_180 : vector<16xf32>
      %swap3A_182 = arith.index_cast %scan3A_90 : i32 to index
      %swap3A_183 = arith.constant 96 : index
      %swap3A_184 = tpu.vector_load %arg9[%swap3A_182, %swap3A_183] {strides = array<i32>} : memref<256x128xf32, #tpu.memory_space<vmem>>, vector<1x16xf32>,
      %swap3A_185 = vector.shape_cast %swap3A_184 : vector<1x16xf32> to vector<16xf32>
      %swap3A_186 = vector.shape_cast %add3A_181 : vector<16xf32> to vector<1x16xf32>
      tpu.vector_store %arg9[%swap3A_182, %swap3A_183], %swap3A_186 {strides = array<i32>} : memref<256x128xf32, #tpu.memory_space<vmem>>, vector<1x16xf32>,
      %get3A_187 = arith.index_cast %scan3A_90 : i32 to index
      %get3A_188 = arith.constant 112 : index
      %get3A_189 = tpu.vector_load %arg9[%get3A_187, %get3A_188] {strides = array<i32>} : memref<256x128xf32, #tpu.memory_space<vmem>>, vector<1x16xf32>,
      %get3A_190 = vector.shape_cast %get3A_189 : vector<1x16xf32> to vector<16xf32>
      %get3A_191 = arith.index_cast %scan3A_90 : i32 to index
      %get3A_192 = arith.constant 112 : index
      %get3A_193 = tpu.vector_load %arg10[%get3A_191, %get3A_192] {strides = array<i32>} : memref<256x128xf32, #tpu.memory_space<vmem>>, vector<1x16xf32>,
      %get3A_194 = vector.shape_cast %get3A_193 : vector<1x16xf32> to vector<16xf32>
      %add3A_195 = arith.addf %get3A_190, %get3A_194 : vector<16xf32>
      %swap3A_196 = arith.index_cast %scan3A_90 : i32 to index
      %swap3A_197 = arith.constant 112 : index
      %swap3A_198 = tpu.vector_load %arg9[%swap3A_196, %swap3A_197] {strides = array<i32>} : memref<256x128xf32, #tpu.memory_space<vmem>>, vector<1x16xf32>,
      %swap3A_199 = vector.shape_cast %swap3A_198 : vector<1x16xf32> to vector<16xf32>
      %swap3A_200 = vector.shape_cast %add3A_195 : vector<16xf32> to vector<1x16xf32>
      tpu.vector_store %arg9[%swap3A_196, %swap3A_197], %swap3A_200 {strides = array<i32>} : memref<256x128xf32, #tpu.memory_space<vmem>>, vector<1x16xf32>,
    }
    %scan3A_89 = arith.constant 256 : i32
    "tpu.region"() ({
      %run_scoped3A = tpu.sem_alloc : memref<!tpu.dma_semaphore, #tpu.memory_space<semaphore_mem>>
      %dma_start3A_90 = arith.constant 0 : i32
      %dma_start3A_91 = tpu.memref_slice %arg6[%mul3A_2, %dma_start3A_90] : memref<8192x128xf32, #tpu.memory_space<hbm>> -> memref<256x128xf32, #tpu.memory_space<hbm>>
      %dma_start3A_92 = arith.constant 0 : i32
      %dma_start3A_93 = tpu.memref_slice %arg6[%mul3A_2, %dma_start3A_92] : memref<8192x128xf32, #tpu.memory_space<hbm>> -> memref<256x128xf32, #tpu.memory_space<hbm>>
      tpu.enqueue_dma source(%arg9 : memref<256x128xf32, #tpu.memory_space<vmem>>) target(%dma_start3A_93 : memref<256x128xf32, #tpu.memory_space<hbm>>) target_semaphore(%run_scoped3A : memref<!tpu.dma_semaphore, #tpu.memory_space<semaphore_mem>>)
      %dma_wait3A_94 = arith.constant 0 : i32
      %dma_wait3A_95 = tpu.memref_slice %arg6[%mul3A_2, %dma_wait3A_94] : memref<8192x128xf32, #tpu.memory_space<hbm>> -> memref<256x128xf32, #tpu.memory_space<hbm>>
      %dma_wait3A_96 = arith.constant 0 : i32
      %dma_wait3A_97 = tpu.memref_slice %arg6[%mul3A_2, %dma_wait3A_96] : memref<8192x128xf32, #tpu.memory_space<hbm>> -> memref<256x128xf32, #tpu.memory_space<hbm>>
      tpu.wait_dma2 semaphore(%run_scoped3A : memref<!tpu.dma_semaphore, #tpu.memory_space<semaphore_mem>>) src(%arg9 : memref<256x128xf32, #tpu.memory_space<vmem>>) dst(%dma_wait3A_97 : memref<256x128xf32, #tpu.memory_space<hbm>>)
      tpu.yield
    }) : () -> ()
    return
  }
}

</mosaic_0001>

<sc_bundles>
// kernel: kernel.3.cloned.1.call-start
scs
__scs_entry_jumppad:
0x0: {  	(pc) =	sbr.rel $0x88, $3  }
0x1: {  	(tag) =	ssettag $0x0;
	lr =	simm.s32 $0x1  }
0x2: {  	[smem:$0x3F9D] =	sst lr;
	_ =	strace $0xD0000000  }
0x3: {  	_ = 	snop  }
0x4: {  	_ = 	snop  }
0x5: {  	_ = 	snop  }
0x6: {  	_ = 	snop  }
0x7: {  	_ = 	snop  }
__scs_overlays_trampoline_lowered:
0x8: {  	[smem:$0x3FAC] =	sst s0  }
0x9: {  	[smem:$0x3FAD] =	sst s1  }
0xa: {  	[smem:$0x3FAE] =	sst s2  }
0xb: {  	[smem:$0x3FAF] =	sst s3  }
0xc: {  	[smem:$0x3FB0] =	sst s4  }
0xd: {  	[smem:$0x3FB1] =	sst s5  }
0xe: {  	[smem:$0x3FB2] =	sst s6  }
0xf: {  	[smem:$0x3FB3] =	sst s7  }
0x10: {  	[smem:$0x3FB4] =	sst s8  }
0x11: {  	[smem:$0x3FB5] =	sst s9;
	s0 =	simm.s32 @!p0 $0x0  }
0x12: {  	s1 =	sld [smem:$0x3F9B];
	s0 =	simm.s32 @p0 $0x1  }
0x13: {  	[smem:$0x3FB6] =	sst s0;
	s0 =	simm.s32 @!p1 $0x0  }
0x14: {  	s2 =	sld [smem:$0x3F9A];
	s0 =	simm.s32 @p1 $0x1  }
0x15: {  	[smem:$0x3FB7] =	sst s0;
	s0 =	simm.s32 @!p2 $0x0  }
0x16: {  	s3 =	sld [smem:$0x3FDB];
	s0 =	simm.s32 @p2 $0x1  }
0x17: {  	s4 =	simm.s32 $0x1BF5;
	[smem:$0x3FB9] =	sst s0  }
0x18: {  	s0 =	sld [smem:$0x3F9C];
	_ =	swait.ge [sflag:s4], $0x0  }
0x19: {  	s7 =	sld [smem:$0x3F9D]  }
0x1a: {  	s8 =	sadd.s32 $0xFFFFE003, lr  }
0x1b: {  	s9 =	sadd.s32 $0xFFFFFEF7, lr;
	s5 =	simm.s32 $0xFFFFFFFF;
	p2 =	slt.u32 s8, $0xFFFFF086  }
0x1c: {  	p1 =	slt.u32 s9, $0xF7A;
	s5 =	simm.s32 @!p2 $0x0  }
0x1d: {  	s5 =	simm.s32 @p1 $0x1;
	p0 =	seq.s32 s7, s2  }
0x1e: {  	s7 =	smul.u32 @!p0 $0xF7A, s2;
	p2 =	seq.s32 @!p0 s5, $0x0  }
0x1f: {  	s9 =	smul.u32 $0xF7A, s1;
	s8 =	simm.s32 @!p0 $0x1BF5;
	p2 =	por !p2, p0  }
0x20: {  	[sflag:s8] =	ssyncset.s32 @!p0 $0xFFFFF086;
	s6 =	sadd.s32 @!p0 s3, s7;
	s7 =	simm.s32 @!p0 $0x108  }
0x21: {  	s3 =	sadd.s32 s3, s9;
	s6 =	sadd.s32 @!p0 $0x88, s6;
	s7 =	simm.s32 @p2 $0x1082  }
0x22: {  	[simem:s7], [sflag:s8] =	dma.local @!p0 [hbm:s6], $0xF7A  }
0x23: {  	s9 =	sor.u32 $0xD0000000, s2;
	s6 =	simm.s32 $0x108;
	_ =	swait.ge @!p0 [sflag:s8], $0x0  }
0x24: {  	s3 =	sadd.s32 $0x88, s3;
	s6 =	simm.s32 @!p1 $0x1082;
	[sflag:s4] =	ssyncset.s32 $0xFFFFF086  }
0x25: {  	[simem:s6], [sflag:s4] =	dma.local [hbm:s3], $0xF7A  }
0x26: {  	[smem:$0x3F9D] =	sst s1;
	(tag) =	ssettag s2;
	_ =	strace s9  }
0x27: {  	s1 =	sld [smem:$0x3FAD]  }
0x28: {  	s2 =	sld [smem:$0x3FAE]  }
0x29: {  	s4 =	sld [smem:$0x3FB0]  }
0x2a: {  	p0 =	seq.s32 s5, $0x0;
	s5 =	sld [smem:$0x3FB1]  }
0x2b: {  	s6 =	sld [smem:$0x3FB2]  }
0x2c: {  	s7 =	sld [smem:$0x3FB3]  }
0x2d: {  	s3 =	simm.s32 $0x108;
	s8 =	sld [smem:$0x3FB4]  }
0x2e: {  	s3 =	simm.s32 @!p0 $0x1082;
	s9 =	sld [smem:$0x3FB5]  }
0x2f: {  	lr =	sadd.s32 s0, s3;
	s0 =	sld [smem:$0x3FAC]  }
0x30: {  	s3 =	sld [smem:$0x3FAF]  }
0x31: {  	[smem:$0x3FB8] =	sst s10  }
0x32: {  	s10 =	sld [smem:$0x3FB6];
	_ =	sdelay $0x3  }
0x33: {  	p0 =	seq.s32 s10, $0x1;
	s10 =	sld [smem:$0x3FB8];
	_ =	sdelay $0x3  }
0x34: {  	[smem:$0x3FB8] =	sst s10  }
0x35: {  	s10 =	sld [smem:$0x3FB7];
	_ =	sdelay $0x3  }
0x36: {  	p1 =	seq.s32 s10, $0x1;
	s10 =	sld [smem:$0x3FB8];
	_ =	sdelay $0x3  }
0x37: {  	[smem:$0x3FB8] =	sst s10  }
0x38: {  	s10 =	sld [smem:$0x3FB9]  }
0x39: {  	_ = 	snop;
	(pc) =	sbr.ind lr, $3  }
0x3a: {  	_ = 	snop  }
0x3b: {  	_ = 	snop  }
0x3c: {  	p2 =	seq.s32 s10, $0x1;
	s10 =	sld [smem:$0x3FB8]  }
0x3d: {  	_ =	shalt  }
0x3e: {  	_ =	shalt  }
0x3f: {  	_ =	shalt  }
0x40: {  	_ =	shalt  }
0x41: {  	_ =	shalt  }
0x42: {  	_ =	shalt  }
0x43: {  	_ =	shalt  }
0x44: {  	_ =	shalt  }
0x45: {  	_ =	shalt  }
0x46: {  	_ =	shalt  }
0x47: {  	_ =	shalt  }
0x48: {  	_ =	shalt  }
0x49: {  	_ =	shalt  }
0x4a: {  	_ =	shalt  }
0x4b: {  	_ =	shalt  }
0x4c: {  	_ =	shalt  }
0x4d: {  	_ =	shalt  }
0x4e: {  	_ =	shalt  }
0x4f: {  	_ =	shalt  }
0x50: {  	_ =	shalt  }
0x51: {  	_ =	shalt  }
0x52: {  	_ =	shalt  }
0x53: {  	_ =	shalt  }
0x54: {  	_ =	shalt  }
0x55: {  	_ =	shalt  }
0x56: {  	_ =	shalt  }
0x57: {  	_ =	shalt  }
0x58: {  	_ =	shalt  }
0x59: {  	_ =	shalt  }
0x5a: {  	_ =	shalt  }
0x5b: {  	_ =	shalt  }
0x5c: {  	_ =	shalt  }
0x5d: {  	_ =	shalt  }
0x5e: {  	_ =	shalt  }
0x5f: {  	_ =	shalt  }
0x60: {  	_ =	shalt  }
0x61: {  	_ =	shalt  }
0x62: {  	_ =	shalt  }
0x63: {  	_ =	shalt  }
0x64: {  	_ =	shalt  }
0x65: {  	_ =	shalt  }
0x66: {  	_ =	shalt  }
0x67: {  	_ =	shalt  }
0x68: {  	_ =	shalt  }
0x69: {  	_ =	shalt  }
0x6a: {  	_ =	shalt  }
0x6b: {  	_ =	shalt  }
0x6c: {  	_ =	shalt  }
0x6d: {  	_ =	shalt  }
0x6e: {  	_ =	shalt  }
0x6f: {  	_ =	shalt  }
0x70: {  	_ =	shalt  }
0x71: {  	_ =	shalt  }
0x72: {  	_ =	shalt  }
0x73: {  	_ =	shalt  }
0x74: {  	_ =	shalt  }
0x75: {  	_ =	shalt  }
0x76: {  	_ =	shalt  }
0x77: {  	_ =	shalt  }
0x78: {  	_ =	shalt  }
0x79: {  	_ =	shalt  }
0x7a: {  	_ =	shalt  }
0x7b: {  	_ =	shalt  }
0x7c: {  	_ =	shalt  }
0x7d: {  	_ =	shalt  }
0x7e: {  	_ =	shalt  }
0x7f: {  	_ =	shalt  }
0x80: {  	_ =	shalt  }
0x81: {  	_ =	shalt  }
0x82: {  	_ =	shalt  }
0x83: {  	_ =	shalt  }
0x84: {  	_ =	shalt  }
0x85: {  	_ =	shalt  }
0x86: {  	_ =	shalt  }
0x87: {  	_ =	shalt  }
.Lfunc_end0:
.L_simem_size_0:
called_computation_lowered:
.L_overlay_start_0:
0x88: {  	s2 =	sld [smem:$0x3FD9]  }
0x89: {  	s3 =	sld [smem:$0x3FFE];
	_ =	sdelay $0x1  }
0x8a: {  	s1 =	srdreg.scid  }
0x8b: {  	s0 =	sand.u32 $0x1, s1  }
0x8c: {  	s17 =	sshll.u32 s0, $0xA;
	s2 =	sadd.s32 s3, s2  }
0x8d: {  	s2 =	sadd.s32 s2, s17  }
0x8e: {  	[smem:$0x3FC4] =	sst s2  }
0x8f: {  	_ = 	snop  }
0x90: {  	s2 =	sld [smem:$0x3FC7]  }
0x91: {  	s18 =	sld [smem:$0x3FC6]  }
0x92: {  	s4 =	sld [smem:$0x3FD0];
	(tm) =	ssettm $0x1  }
0x93: {  	s5 =	sld [smem:$0x3FFB];
	_ =	sdelay $0x3  }
0x94: {  	_ =	strace s5  }
0x95: {  	s5 =	sld [smem:$0x3FFC];
	_ =	sdelay $0x3  }
0x96: {  	_ =	strace s5  }
0x97: {  	s5 =	sld [smem:$0x3FFD];
	_ =	sdelay $0x3  }
0x98: {  	_ =	strace s5  }
0x99: {  	_ =	strace $0x8FFFFFFF  }
0x9a: {  	s19 =	sld [smem:$0x3FDB];
	_ =	sdelay $0x1  }
0x9b: {  	s6 =	simm.s32 $_scs_section_size  }
0x9c: {  	s7 =	simm.s32 $_size__tile_overlayer_lowered;
	s8 =	simm.s32 $_tile_overlayer_lowered  }
0x9d: {  	s22 =	simm.s32 $0x1BFF;
	s21 =	sshll.u32 s8, $0x1;
	s5 =	sadd.s32 s6, s19  }
0x9e: {  	s9 =	simm.s32 $0x0;
	s20 =	sshll.u32 s7, $0x1;
	s7 =	sadd.s32 s21, s5  }
0x9f: {  	[timem:s9], [sflag:s22] =	dma.local [hbm:s7], s20  }
0xa0: {  	_ =	swait.ge [sflag:s22], s20  }
0xa1: {  	s6 =	ssub.s32 $0x0, s20;
	[sflag:s22] =	ssyncset.done $0x0  }
0xa2: {  	[sflag:s22] =	ssyncadd.s32 s6;
	_ =	sdelay $0x1  }
0xa3: {  	s23 =	simm.s32 $0x1B8B  }
0xa4: {  	_ =	swait.ge [sflag:s23], $0x1  }
0xa5: {  	[sflag:s23] =	ssyncset.done $0x0  }
0xa6: {  	s25 =	simm.s32 $0x1B8E;
	s24 =	sld [smem:$0x3FFE];
	[sflag:s23] =	ssyncadd.s32 $0xFFFFFFFF  }
0xa7: {  	s26 =	simm.s32 $execute0_lowered;
	[smem:$0x3FD2] =	sst s25  }
0xa8: {  	s7 =	sshll.u32 s26, $0x1;
	_ =	strace $0x80000046;
	[dreg:$0x1] =	wrdreg $0xFFFFFFFF  }
0xa9: {  	s28 =	simm.s32 $_size_execute0_lowered;
	s5 =	sadd.s32 s5, s7;
	[dreg:$0x0] =	wrdreg $0x0  }
0xaa: {  	s7 =	sshll.u32 s28, $0x1;
	[dreg:$0x2] =	wrdreg s5  }
0xab: {  	[dreg:$0x3] =	wrdreg s7  }
0xac: {  	[dreg:$0x4] =	wrdreg $0xC0  }
0xad: {  	_ =	task [dreg:s9], $0x5FFFF  }
0xae: {  	[dreg:$0x1] =	wrdreg $0xFFFFFFFF  }
0xaf: {  	[dreg:$0x0] =	wrdreg $0x60  }
0xb0: {  	[dreg:$0x2] =	wrdreg s24  }
0xb1: {  	[dreg:$0x3] =	wrdreg s2  }
0xb2: {  	[dreg:$0x4] =	wrdreg s18  }
0xb3: {  	[dreg:$0x5] =	wrdreg s4  }
0xb4: {  	[dreg:$0x6] =	wrdreg $0x9  }
0xb5: {  	_ =	task.clear_ibuf [dreg:s9], $0x7FFFF;
	_ =	strace $0x90000046  }
0xb6: {  	s29 =	simm.s32 $0x9;
	_ =	strace $0x80000048  }
0xb7: {  	_ =	swait.ge [sflag:s29], $0x1  }
0xb8: {  	[sflag:s29] =	ssyncadd.s32 $0xFFFFFFFF  }
0xb9: {  	_ =	strace $0x90000048  }
0xba: {  	_ =	sfence  }
0xbb: {  	s30 =	sld [smem:$0x0];
	_ =	sdelay $0x2  }
0xbc: {  	s31 =	sshll.u32 s1, $0xD;
	s1 =	sshrl.u32 s1, $0x2  }
0xbd: {  	s3 =	sand.u32 $0x4000, s31;
	s1 =	sadd.s32 s1, s30  }
0xbe: {  	s0 =	sor.u32 s3, s0;
	s1 =	sshll.u32 s1, $0x11  }
0xbf: {  	s0 =	sor.u32 s1, s0  }
0xc0: {  	s0 =	sadd.s32 $0x8F2B, s0  }
0xc1: {  	[sflag:s0] =	ssyncadd.remote.s32 $0x1  }
0xc2: {  	_ =	sfence.sel $0xFFFF  }
0xc3: {  	[dreg:$0x0] =	wrdreg $0xFFFFFFFF;
	(pc) =	sbr.abs _section_cstart, $3  }
0xc4: {  	[dreg:$0x1] =	wrdreg $0xFFFFFFFF  }
0xc5: {  	_ =	task.clear_ibuf [dreg:s9], $0x2FFFF;
	_ =	strace $0x9FFFFFFF  }
0xc6: {  	(tm) =	ssettm $0x7FFFFFFF  }
0xc7: {  	_ =	shalt  }
tec
execute0_lowered:
.L_overlay_start_1:
0x0: {  	(tag) =	ssettag $0x1  }
0x1: {  	s5 =	rddreg [dreg:$0x0]  }
0x2: {  	s2 =	rddreg [dreg:$0x1]  }
0x3: {  	s3 =	rddreg [dreg:$0x2]  }
0x4: {  	s7 =	rddreg [dreg:$0x3]  }
0x5: {  	s4 =	srdreg.scid;
	s1 =	stileid.u32  }
0x6: {  	s0 =	rddreg [dreg:$0x4];
	s11 =	simm.s32 $0x80;
	s12 =	simm.s32 $0x200  }
0x7: {  	s13 =	simm.s32 $0x8200;
	s14 =	simm.s32 $0x4200;
	s15 =	simm.s32 $0x180  }
0x8: {  	s16 =	simm.s32 $0xC200;
	s17 =	simm.s32 $0x1;
	s18 =	simm.s32 $0x0  }
0x9: {  	s6 =	sand.u32 $0x1, s4;
	s8 =	sshll.u32 s1, $0x1;
	s4 =	simm.s32 $0x0  }
0xa: {  	s8 =	sor.u32 s6, s8;
	s6 =	ssub.s32 $0x2, s6;
	[smem:$0x7FF] =	sst s4  }
0xb: {  	s9 =	sshll.u32 s8, $0x5;
	s10 =	sshrl.u32 s6, $0x1;
	_ =	strace $0x80000047  }
0xc: {  	s8 =	sshll.u32 s8, $0xC;
	s9 =	sadd.s32 s9, s5;
	s10 =	ssub.s32 s6, s10  }
0xd: {  	s7 =	sadd.s32 s7, s8;
	s5 =	sadd.s32 $0x400, s9;
	s6 =	sadd.s32 $0x800, s9  }
0xe: {  	s8 =	smax.u32 s10, $0x1;
	s9 =	simm.s32 $0x2;
	s10 =	simm.s32 $0x100  }
.LBB2_1:
0xf: {  	[tilespmem:s4], [sflag:$0x2] =	stream.linear.gather [hbm4b:s5+s4], $0x100, $0x38;
	[tilespmem:$0x10200] =	vst v63  }
0x10: {  	_ =	swait.ge [sflag:s9], $0x100  }
0x11: {  	[sflag:s9] =	ssyncset.done $0x0  }
0x12: {  	[sflag:s9] =	ssyncadd.s32 $0xFFFFFF00  }
0x13: {  	[tilespmem:s10], [sflag:$0x2] =	stream.linear.gather [hbm4b:s6+s4], $0x100, $0x38;
	[tilespmem:$0x10200] =	vst v63  }
0x14: {  	_ =	swait.ge [sflag:s9], $0x100  }
0x15: {  	[sflag:s9] =	ssyncset.done $0x0  }
0x16: {  	[sflag:s9] =	ssyncadd.s32 $0xFFFFFF00  }
0x17: {  	[tilespmem:s12], [sflag:$0x1] =	stream.indirect.gather [hbm4b:s2+s11], $0x80, s4, s11, $0xb8;
	[tilespmem:$0x10200] =	vst v63  }
0x18: {  	_ = 	snop  }
0x19: {  	[tilespmem:s13], [sflag:$0x1] =	stream.indirect.gather [hbm4b:s3+s11], $0x80, s10, s11, $0xb8;
	[tilespmem:$0x10200] =	vst v63  }
0x1a: {  	_ = 	snop  }
0x1b: {  	[tilespmem:s14], [sflag:$0x1] =	stream.indirect.gather [hbm4b:s2+s11], $0x80, s11, s11, $0xb8;
	[tilespmem:$0x10200] =	vst v63  }
0x1c: {  	_ = 	snop  }
0x1d: {  	[tilespmem:s16], [sflag:$0x1] =	stream.indirect.gather [hbm4b:s3+s11], $0x80, s15, s11, $0xb8;
	[tilespmem:$0x10200] =	vst v63  }
0x1e: {  	_ =	swait.ge [sflag:s17], $0x4000  }
0x1f: {  	[sflag:s17] =	ssyncset.done $0x0  }
0x20: {  	[sflag:s17] =	ssyncadd.s32 $0xFFFFC000  }
0x21: {  	_ =	swait.ge [sflag:s17], $0x4000  }
0x22: {  	[sflag:s17] =	ssyncset.done $0x0  }
0x23: {  	[sflag:s17] =	ssyncadd.s32 $0xFFFFC000  }
0x24: {  	_ =	swait.ge [sflag:s17], $0x4000  }
0x25: {  	[sflag:s17] =	ssyncset.done $0x0  }
0x26: {  	[sflag:s17] =	ssyncadd.s32 $0xFFFFC000  }
0x27: {  	_ =	swait.ge [sflag:s17], $0x4000  }
0x28: {  	[sflag:s17] =	ssyncset.done $0x0  }
0x29: {  	s19 =	simm.s32 $0x0;
	[sflag:s17] =	ssyncadd.s32 $0xFFFFC000  }
0x2a: {  	v7 =	vld [tilespmem:s19+$0x8200]  }
0x2b: {  	v11 =	vld [tilespmem:s19+$0x8210]  }
0x2c: {  	v5 =	vld [tilespmem:s19+$0x8220]  }
0x2d: {  	v4 =	vld [tilespmem:s19+$0x8230]  }
0x2e: {  	v3 =	vld [tilespmem:s19+$0x8240]  }
0x2f: {  	v2 =	vld [tilespmem:s19+$0x8250]  }
0x30: {  	v1 =	vld [tilespmem:s19+$0x8260]  }
0x31: {  	v0 =	vld [tilespmem:s19+$0x8270]  }
0x32: {  	v12 =	vld [tilespmem:s19+$0x200]  }
0x33: {  	v13 =	vld [tilespmem:s19+$0x210]  }
0x34: {  	v10 =	vld [tilespmem:s19+$0x220]  }
0x35: {  	v9 =	vld [tilespmem:s19+$0x230]  }
0x36: {  	v8 =	vld [tilespmem:s19+$0x240]  }
0x37: {  	v6 =	vld [tilespmem:s19+$0x250];
	v12 =	vadd.f32 v7, v12  }
0x38: {  	s20 =	simm.s32 $0x200;
	v11 =	vadd.f32 v11, v13;
	v7 =	vld [tilespmem:s19+$0x260]  }
.LBB2_2:
0x39: {  	s21 =	sshra.s32 s20, $0x2;
	p0 =	sne.s32 s20, $0x1FE00;
	[tilespmem:s19+$0x200] =	vst v12;
	v5 =	vadd.f32 v5, v10;
	v10 =	vld [tilespmem:s19+$0x270]  }
0x3a: {  	v12 =	vld [tilespmem:s21+$0x8200];
	[tilespmem:s19+$0x210] =	vst v11;
	v4 =	vadd.f32 v4, v9  }
0x3b: {  	v11 =	vld [tilespmem:s21+$0x8210];
	[tilespmem:s19+$0x220] =	vst v5;
	v3 =	vadd.f32 v3, v8  }
0x3c: {  	v5 =	vld [tilespmem:s21+$0x8220];
	[tilespmem:s19+$0x230] =	vst v4;
	v2 =	vadd.f32 v2, v6  }
0x3d: {  	v4 =	vld [tilespmem:s21+$0x8230];
	[tilespmem:s19+$0x240] =	vst v3;
	v1 =	vadd.f32 v1, v7  }
0x3e: {  	v3 =	vld [tilespmem:s21+$0x8240];
	[tilespmem:s19+$0x250] =	vst v2;
	v0 =	vadd.f32 v0, v10  }
0x3f: {  	v2 =	vld [tilespmem:s21+$0x8250];
	[tilespmem:s19+$0x260] =	vst v1  }
0x40: {  	v1 =	vld [tilespmem:s21+$0x8260];
	[tilespmem:s19+$0x270] =	vst v0;
	s19 =	smov.u32 s21  }
0x41: {  	v0 =	vld [tilespmem:s19+$0x8270]  }
0x42: {  	v6 =	vld [tilespmem:s19+$0x200]  }
0x43: {  	v7 =	vld [tilespmem:s19+$0x210]  }
.Ltmp0:
0x44: {  	v10 =	vld [tilespmem:s19+$0x220];
	(pc) =	sbr.rel @p0 .LBB2_2-.Ltmp0, $4  }
0x45: {  	v9 =	vld [tilespmem:s19+$0x230]  }
0x46: {  	v8 =	vld [tilespmem:s19+$0x240]  }
0x47: {  	v12 =	vadd.f32 v12, v6;
	v6 =	vld [tilespmem:s19+$0x250]  }
0x48: {  	s20 =	sadd.s32 $0x200, s20;
	v11 =	vadd.f32 v11, v7;
	v7 =	vld [tilespmem:s19+$0x260]  }
0x49: {  	[tilespmem:s19+$0x200] =	vst v12;
	v5 =	vadd.f32 v5, v10;
	v63 =	vld [tilespmem:s19+$0x270]  }
0x4a: {  	[tilespmem:s19+$0x210] =	vst v11;
	v4 =	vadd.f32 v4, v9  }
0x4b: {  	[tilespmem:s19+$0x220] =	vst v5;
	v3 =	vadd.f32 v3, v8  }
0x4c: {  	[tilespmem:s19+$0x230] =	vst v4;
	v2 =	vadd.f32 v2, v6  }
0x4d: {  	[tilespmem:s19+$0x240] =	vst v3;
	v1 =	vadd.f32 v1, v7  }
0x4e: {  	s18 =	sadd.s32 $0x1, s18;
	[tilespmem:s19+$0x250] =	vst v2;
	v0 =	vadd.f32 v0, v63  }
0x4f: {  	p0 =	sne.s32 s18, s8;
	[tilespmem:s19+$0x260] =	vst v1  }
.Ltmp1:
0x50: {  	[tilespmem:s19+$0x270] =	vst v0;
	(pc) =	sbr.rel @p0 .LBB2_1-.Ltmp1, $4  }
0x51: {  	[hbm4b:s7+s4] =	stream.linear.scatter [tilespmem:s12], [sflag:$0x2], $0x8000, $0x38;
	[tilespmem:$0x10200] =	vst v63  }
0x52: {  	_ =	swait.ge [sflag:s9], $0x8000  }
0x53: {  	[sflag:s9] =	ssyncset.done $0x0  }
0x54: {  	[sflag:s9] =	ssyncadd.s32 $0xFFFF8000  }
0x55: {  	_ =	sfence.sel $0x180000  }
0x56: {  	[bflag:$0x0] =	sbarrier.arrive $0xFFFF  }
0x57: {  	p0 =	sne.s32 s1, $0x0;
	_ =	strace $0x90000047  }
0x58: {  	s0 =	sadd.s32 @!p0 $0x100000, s0;
	[bflag:$0x2] =	sbarrier.arrive $0xFFFF  }
0x59: {  	[sflag:s0] =	ssyncadd.tile.s32 @!p0 $0x1;
	_ =	shalt  }
.Lfunc_end2:
_tile_overlayer_lowered:
.L_overlay_start_2:
0x5a: {  	(tag) =	ssettag $0x2  }
0x5b: {  	s0 =	rddreg [dreg:$0x0];
	s2 =	stileid.u32  }
0x5c: {  	s1 =	rddreg [dreg:$0x1];
	p0 =	sne.s32 s2, $0x0  }
0x5d: {  	s3 =	rddreg [dreg:$0x2];
	[bflag:$0x3] =	sbarrier.arrive $0xFFFF;
	s2 =	simm.s32 @!p0 $0x1C02  }
0x5e: {  	[timem:s3], [sflag:s2] =	dma.local @!p0 [hbm:s0], s1  }
0x5f: {  	s0 =	simm.s32 @!p0 $0x2  }
0x60: {  	_ =	swait.ge @!p0 [sflag:s0], s1  }
0x61: {  	s1 =	ssub.s32 @!p0 $0x0, s1;
	[sflag:s0] =	ssyncset.done @!p0 $0x0  }
0x62: {  	[sflag:s0] =	ssyncadd.s32 @!p0 s1  }
0x63: {  	[bflag:$0x3] =	sbarrier.arrive $0xFFFF  }
0x64: {  	_ =	shalt  }

</sc_bundles>
